<compile_context>
chip_gen: v7x
topology: tpu7x:2x2x1
jax: 0.10.2.dev20260603
libtpu: 0.0.44.dev20260713+nightly
codegen_flags: <defaults>
</compile_context>

<pallas_src>
import functools

import jax
import jax.numpy as jnp
from jax import lax
from jax.experimental import pallas as pl
from jax.experimental.pallas import tpu as pltpu
from jax.experimental.pallas import tpu_sc as plsc

N = 100000
D = 128
E = 100000

NC = 2
NS = 16
NW = NC * NS
EP = 102400
EPW = EP // NW

NP = 102400
ZCH = NP // NS

_sc_mesh = plsc.VectorSubcoreMesh(core_axis_name="c", subcore_axis_name="s")


TAIL = E - (NW - 1) * EPW


@functools.partial(
    pl.kernel,
    mesh=_sc_mesh,
    out_type=jax.ShapeDtypeStruct((NC, NP), jnp.float32),
    scratch_types=[
        pltpu.VMEM((EPW,), jnp.int32),
        pltpu.VMEM((EPW,), jnp.int32),
        pltpu.VMEM((EPW,), jnp.float32),
        pltpu.VMEM((ZCH,), jnp.float32),
        pltpu.VMEM_SHARED((NP,), jnp.float32),
        pltpu.SemaphoreType.DMA,
        pltpu.SemaphoreType.DMA,
    ],
)
def _segment_sum_sc(ei_hbm, xf_hbm, idx2c_hbm, zero_hbm, zi_hbm, out_hbm,
                    idx_v, idx2_v, val_v, stage_v, acc_sh, semA, semB):
    c = lax.axis_index("c")
    s = lax.axis_index("s")
    wid = c * NS + s
    base = wid * EPW

    a2 = pltpu.async_copy(idx2c_hbm.at[pl.ds(base, EPW)], idx2_v, semA)

    @pl.when(wid < NW - 1)
    def _():
        pltpu.sync_copy(ei_hbm.at[pl.ds(E + base, EPW)], idx_v)

    @pl.when(wid == NW - 1)
    def _():
        pltpu.sync_copy(ei_hbm.at[pl.ds(E + base, TAIL)],
                        idx_v.at[pl.ds(0, TAIL)])
        pltpu.sync_copy(zi_hbm, idx_v.at[pl.ds(TAIL, EPW - TAIL)])

    pltpu.sync_copy(zero_hbm.at[pl.ds(s * ZCH, ZCH)], stage_v)
    a3 = pltpu.async_copy(stage_v, acc_sh.at[pl.ds(s * ZCH, ZCH)], semB)

    a2.wait()
    pltpu.sync_copy(xf_hbm.at[idx2_v], val_v)

    @pl.when(wid == NW - 1)
    def _():
        pltpu.sync_copy(zero_hbm.at[pl.ds(0, EPW - TAIL)],
                        val_v.at[pl.ds(TAIL, EPW - TAIL)])

    a3.wait()
    plsc.subcore_barrier()

    pltpu.sync_copy(val_v, acc_sh.at[idx_v], add=True)

    plsc.subcore_barrier()

    pltpu.sync_copy(acc_sh.at[pl.ds(s * ZCH, ZCH)], stage_v)
    pltpu.sync_copy(stage_v, out_hbm.at[c, pl.ds(s * ZCH, ZCH)])


BN = 4096
M = BN // 128
G = NP // 128


def _gnn_tc_kernel(x_ref, wt_ref, b_ref, s_ref, o_ref):
    y = jnp.dot(x_ref[...], wt_ref[...], preferred_element_type=jnp.float32)
    y = jnp.maximum(y + b_ref[...], 0.0)
    s2 = s_ref[0] + s_ref[1]
    lane = lax.broadcasted_iota(jnp.int32, (1, D), 1)
    e0 = (lane == 0).astype(jnp.float32)
    adds = [
        lax.dot_general(s2[q:q + 1, :], e0, (((0,), (0,)), ((), ())),
                        preferred_element_type=jnp.float32)
        for q in range(M)
    ]
    o_ref[...] = y + jnp.concatenate(adds, axis=0)


def kernel(x, edge_index, W, b):
    ei_flat = edge_index.reshape(-1)
    x_flat = x.reshape(-1)
    ar = jnp.arange(EP, dtype=jnp.int32)
    idx2c = jnp.where(ar < E, ar * D, 0)
    zeros = jnp.zeros((NP,), jnp.float32)
    zi = jnp.zeros((EPW - TAIL,), jnp.int32)
    s = _segment_sum_sc(ei_flat, x_flat, idx2c, zeros, zi)
    s3 = s.reshape(NC, G, 128)

    wt = W.T
    b2 = b.reshape(1, D)
    return pl.pallas_call(
        _gnn_tc_kernel,
        grid=(NP // BN,),
        in_specs=[
            pl.BlockSpec((BN, D), lambda i: (i, 0)),
            pl.BlockSpec((D, D), lambda i: (0, 0)),
            pl.BlockSpec((1, D), lambda i: (0, 0)),
            pl.BlockSpec((NC, M, 128), lambda i: (0, i, 0)),
        ],
        out_specs=pl.BlockSpec((BN, D), lambda i: (i, 0)),
        out_shape=jax.ShapeDtypeStruct((N, D), jnp.float32),
    )(x, wt, b2, s3)

# --- scband reference (transcript-rebuilt; emitter-appended) ---
"""Pipeline reference for scband-gnnlayer-86887188398821 (READ-ONLY COPY).

The authoritative reference and input builder live on the scoring server;
editing this copy changes nothing except your own understanding.
"""

import jax, jax.numpy as jnp
import numpy as np

N = 100000
D_IN = 128
D_OUT = 128
E = 100000

def setup_inputs(seed: int = 0) -> dict:
    key = jax.random.key(seed)
    k1, k2, k3, k4 = jax.random.split(key, 4)
    x = jax.random.normal(k1, (N, D_IN), dtype=jnp.float32)
    edge_index = jax.random.randint(k2, (2, E), 0, N, dtype=jnp.int32)
    # nn.Linear(in_dim, out_dim) parameters
    W = jax.random.normal(k3, (D_OUT, D_IN), dtype=jnp.float32) * 0.05
    b = jax.random.normal(k4, (D_OUT,), dtype=jnp.float32) * 0.05
    return {"x": x, "edge_index": edge_index, "W": W, "b": b}


def reference(x, edge_index, W, b):
    # col = edge_index[1].long().unsqueeze(1) -> shape [E, 1]
    col = edge_index[1]
    # out = relu(linear(x)) -> [N, out_dim]
    out = jax.nn.relu(x @ W.T + b)
    # torch.scatter_add(out, 0, col[E,1], src=x[N,in_dim]):
    # only j=0 column is touched, using the first E rows of src:
    # out[col[i,0], 0] += x[i, 0] for i in range(E)
    e = col.shape[0]
    out = out.at[col, 0].add(x[:e, 0])
    return out

if __name__ == "__main__":
    import jax
    _d = setup_inputs()
    print(jax.jit(kernel)(*tuple(_d.values())))

</pallas_src>

<mosaic_0001>
#map = affine_map<(d0, d1) -> (0)>
#map1 = affine_map<(d0, d1) -> (0, 0)>
module attributes {stable_mosaic.version = 14 : i64} {
  func.func @_segment_sum_sc(%arg0: i32, %arg1: i32, %arg2: memref<200000xi32, #tpu.memory_space<hbm>>, %arg3: memref<12800000xf32, #tpu.memory_space<hbm>>, %arg4: memref<102400xi32, #tpu.memory_space<hbm>>, %arg5: memref<102400xf32, #tpu.memory_space<hbm>>, %arg6: memref<2400xi32, #tpu.memory_space<hbm>>, %arg7: memref<2x102400xf32, #tpu.memory_space<hbm>>, %arg8: memref<3200xi32, #tpu.memory_space<vmem>>, %arg9: memref<3200xi32, #tpu.memory_space<vmem>>, %arg10: memref<3200xf32, #tpu.memory_space<vmem>>, %arg11: memref<6400xf32, #tpu.memory_space<vmem>>, %arg12: memref<102400xf32, #tpu.memory_space<vmem_shared>>, %arg13: memref<!tpu.dma_semaphore, #tpu.memory_space<semaphore_mem>>, %arg14: memref<!tpu.dma_semaphore, #tpu.memory_space<semaphore_mem>>) attributes {dimension_semantics = [#tpu.dimension_semantics<core_parallel>, #tpu.dimension_semantics<subcore_parallel>], iteration_bounds = array<i64: 2, 16>, scalar_prefetch = 0 : i64, scratch_operands = 7 : i64, tpu.core_type = #tpu.core_type<sc_vector_subcore>, window_params = [{transform_indices = #map}, {transform_indices = #map}, {transform_indices = #map}, {transform_indices = #map}, {transform_indices = #map}, {transform_indices = #map1}]} {
    %mul3A = arith.constant 16 : i32
    %mul3A_0 = arith.muli %arg0, %mul3A : i32
    %add3A = arith.addi %mul3A_0, %arg1 : i32
    %mul3A_1 = arith.constant 3200 : i32
    %mul3A_2 = arith.muli %add3A, %mul3A_1 : i32
    %dma_start3A = tpu.memref_slice %arg4[%mul3A_2] : memref<102400xi32, #tpu.memory_space<hbm>> -> memref<3200xi32, #tpu.memory_space<hbm>>
    %dma_start3A_3 = tpu.memref_slice %arg4[%mul3A_2] : memref<102400xi32, #tpu.memory_space<hbm>> -> memref<3200xi32, #tpu.memory_space<hbm>>
    tpu.enqueue_dma source(%dma_start3A_3 : memref<3200xi32, #tpu.memory_space<hbm>>) target(%arg9 : memref<3200xi32, #tpu.memory_space<vmem>>) target_semaphore(%arg13 : memref<!tpu.dma_semaphore, #tpu.memory_space<semaphore_mem>>)
    %lt3A = arith.constant 31 : i32
    %lt3A_4 = arith.cmpi slt, %add3A, %lt3A : i32
    %convert_element_type3A = arith.extui %lt3A_4 : i1 to i32
    %cond3A = arith.constant 0 : i32
    %cond3A_5 = arith.cmpi ne, %convert_element_type3A, %cond3A : i32
    scf.if %cond3A_5 {
      %add3A_29 = arith.constant 100000 : i32
      %add3A_30 = arith.addi %add3A_29, %mul3A_2 : i32
      "tpu.region"() ({
        %run_scoped3A = tpu.sem_alloc : memref<!tpu.dma_semaphore, #tpu.memory_space<semaphore_mem>>
        %dma_start3A_31 = tpu.memref_slice %arg2[%add3A_30] : memref<200000xi32, #tpu.memory_space<hbm>> -> memref<3200xi32, #tpu.memory_space<hbm>>
        %dma_start3A_32 = tpu.memref_slice %arg2[%add3A_30] : memref<200000xi32, #tpu.memory_space<hbm>> -> memref<3200xi32, #tpu.memory_space<hbm>>
        tpu.enqueue_dma source(%dma_start3A_32 : memref<3200xi32, #tpu.memory_space<hbm>>) target(%arg8 : memref<3200xi32, #tpu.memory_space<vmem>>) target_semaphore(%run_scoped3A : memref<!tpu.dma_semaphore, #tpu.memory_space<semaphore_mem>>)
        %dma_wait3A_33 = tpu.memref_slice %arg2[%add3A_30] : memref<200000xi32, #tpu.memory_space<hbm>> -> memref<3200xi32, #tpu.memory_space<hbm>>
        %dma_wait3A_34 = tpu.memref_slice %arg2[%add3A_30] : memref<200000xi32, #tpu.memory_space<hbm>> -> memref<3200xi32, #tpu.memory_space<hbm>>
        tpu.wait_dma2 semaphore(%run_scoped3A : memref<!tpu.dma_semaphore, #tpu.memory_space<semaphore_mem>>) src(%dma_wait3A_34 : memref<3200xi32, #tpu.memory_space<hbm>>) dst(%arg8 : memref<3200xi32, #tpu.memory_space<vmem>>)
        tpu.yield
      }) : () -> ()
    } else {
    }
    %eq3A = arith.constant 31 : i32
    %eq3A_6 = arith.cmpi eq, %add3A, %eq3A : i32
    %convert_element_type3A_7 = arith.extui %eq3A_6 : i1 to i32
    %cond3A_8 = arith.constant 0 : i32
    %cond3A_9 = arith.cmpi ne, %convert_element_type3A_7, %cond3A_8 : i32
    scf.if %cond3A_9 {
      %add3A_29 = arith.constant 100000 : i32
      %add3A_30 = arith.addi %add3A_29, %mul3A_2 : i32
      "tpu.region"() ({
        %run_scoped3A = tpu.sem_alloc : memref<!tpu.dma_semaphore, #tpu.memory_space<semaphore_mem>>
        %dma_start3A_31 = arith.constant 0 : i32
        %dma_start3A_32 = tpu.memref_slice %arg8[%dma_start3A_31] : memref<3200xi32, #tpu.memory_space<vmem>> -> memref<800xi32, #tpu.memory_space<vmem>>
        %dma_start3A_33 = tpu.memref_slice %arg2[%add3A_30] : memref<200000xi32, #tpu.memory_space<hbm>> -> memref<800xi32, #tpu.memory_space<hbm>>
        %dma_start3A_34 = arith.constant 0 : i32
        %dma_start3A_35 = tpu.memref_slice %arg8[%dma_start3A_34] : memref<3200xi32, #tpu.memory_space<vmem>> -> memref<800xi32, #tpu.memory_space<vmem>>
        %dma_start3A_36 = tpu.memref_slice %arg2[%add3A_30] : memref<200000xi32, #tpu.memory_space<hbm>> -> memref<800xi32, #tpu.memory_space<hbm>>
        tpu.enqueue_dma source(%dma_start3A_36 : memref<800xi32, #tpu.memory_space<hbm>>) target(%dma_start3A_35 : memref<800xi32, #tpu.memory_space<vmem>>) target_semaphore(%run_scoped3A : memref<!tpu.dma_semaphore, #tpu.memory_space<semaphore_mem>>)
        %dma_wait3A_37 = arith.constant 0 : i32
        %dma_wait3A_38 = tpu.memref_slice %arg8[%dma_wait3A_37] : memref<3200xi32, #tpu.memory_space<vmem>> -> memref<800xi32, #tpu.memory_space<vmem>>
        %dma_wait3A_39 = tpu.memref_slice %arg2[%add3A_30] : memref<200000xi32, #tpu.memory_space<hbm>> -> memref<800xi32, #tpu.memory_space<hbm>>
        %dma_wait3A_40 = arith.constant 0 : i32
        %dma_wait3A_41 = tpu.memref_slice %arg8[%dma_wait3A_40] : memref<3200xi32, #tpu.memory_space<vmem>> -> memref<800xi32, #tpu.memory_space<vmem>>
        %dma_wait3A_42 = tpu.memref_slice %arg2[%add3A_30] : memref<200000xi32, #tpu.memory_space<hbm>> -> memref<800xi32, #tpu.memory_space<hbm>>
        tpu.wait_dma2 semaphore(%run_scoped3A : memref<!tpu.dma_semaphore, #tpu.memory_space<semaphore_mem>>) src(%dma_wait3A_42 : memref<800xi32, #tpu.memory_space<hbm>>) dst(%dma_wait3A_41 : memref<800xi32, #tpu.memory_space<vmem>>)
        tpu.yield
      }) : () -> ()
      "tpu.region"() ({
        %run_scoped3A = tpu.sem_alloc : memref<!tpu.dma_semaphore, #tpu.memory_space<semaphore_mem>>
        %dma_start3A_31 = arith.constant 800 : i32
        %dma_start3A_32 = tpu.memref_slice %arg8[%dma_start3A_31] : memref<3200xi32, #tpu.memory_space<vmem>> -> memref<2400xi32, #tpu.memory_space<vmem>>
        %dma_start3A_33 = arith.constant 800 : i32
        %dma_start3A_34 = tpu.memref_slice %arg8[%dma_start3A_33] : memref<3200xi32, #tpu.memory_space<vmem>> -> memref<2400xi32, #tpu.memory_space<vmem>>
        tpu.enqueue_dma source(%arg6 : memref<2400xi32, #tpu.memory_space<hbm>>) target(%dma_start3A_34 : memref<2400xi32, #tpu.memory_space<vmem>>) target_semaphore(%run_scoped3A : memref<!tpu.dma_semaphore, #tpu.memory_space<semaphore_mem>>)
        %dma_wait3A_35 = arith.constant 800 : i32
        %dma_wait3A_36 = tpu.memref_slice %arg8[%dma_wait3A_35] : memref<3200xi32, #tpu.memory_space<vmem>> -> memref<2400xi32, #tpu.memory_space<vmem>>
        %dma_wait3A_37 = arith.constant 800 : i32
        %dma_wait3A_38 = tpu.memref_slice %arg8[%dma_wait3A_37] : memref<3200xi32, #tpu.memory_space<vmem>> -> memref<2400xi32, #tpu.memory_space<vmem>>
        tpu.wait_dma2 semaphore(%run_scoped3A : memref<!tpu.dma_semaphore, #tpu.memory_space<semaphore_mem>>) src(%arg6 : memref<2400xi32, #tpu.memory_space<hbm>>) dst(%dma_wait3A_38 : memref<2400xi32, #tpu.memory_space<vmem>>)
        tpu.yield
      }) : () -> ()
    } else {
    }
    %mul3A_10 = arith.constant 6400 : i32
    %mul3A_11 = arith.muli %arg1, %mul3A_10 : i32
    "tpu.region"() ({
      %run_scoped3A = tpu.sem_alloc : memref<!tpu.dma_semaphore, #tpu.memory_space<semaphore_mem>>
      %dma_start3A_29 = tpu.memref_slice %arg5[%mul3A_11] : memref<102400xf32, #tpu.memory_space<hbm>> -> memref<6400xf32, #tpu.memory_space<hbm>>
      %dma_start3A_30 = tpu.memref_slice %arg5[%mul3A_11] : memref<102400xf32, #tpu.memory_space<hbm>> -> memref<6400xf32, #tpu.memory_space<hbm>>
      tpu.enqueue_dma source(%dma_start3A_30 : memref<6400xf32, #tpu.memory_space<hbm>>) target(%arg11 : memref<6400xf32, #tpu.memory_space<vmem>>) target_semaphore(%run_scoped3A : memref<!tpu.dma_semaphore, #tpu.memory_space<semaphore_mem>>)
      %dma_wait3A_31 = tpu.memref_slice %arg5[%mul3A_11] : memref<102400xf32, #tpu.memory_space<hbm>> -> memref<6400xf32, #tpu.memory_space<hbm>>
      %dma_wait3A_32 = tpu.memref_slice %arg5[%mul3A_11] : memref<102400xf32, #tpu.memory_space<hbm>> -> memref<6400xf32, #tpu.memory_space<hbm>>
      tpu.wait_dma2 semaphore(%run_scoped3A : memref<!tpu.dma_semaphore, #tpu.memory_space<semaphore_mem>>) src(%dma_wait3A_32 : memref<6400xf32, #tpu.memory_space<hbm>>) dst(%arg11 : memref<6400xf32, #tpu.memory_space<vmem>>)
      tpu.yield
    }) : () -> ()
    %mul3A_12 = arith.constant 6400 : i32
    %mul3A_13 = arith.muli %arg1, %mul3A_12 : i32
    %dma_start3A_14 = tpu.memref_slice %arg12[%mul3A_13] : memref<102400xf32, #tpu.memory_space<vmem_shared>> -> memref<6400xf32, #tpu.memory_space<vmem_shared>>
    %dma_start3A_15 = tpu.memref_slice %arg12[%mul3A_13] : memref<102400xf32, #tpu.memory_space<vmem_shared>> -> memref<6400xf32, #tpu.memory_space<vmem_shared>>
    tpu.enqueue_dma source(%arg11 : memref<6400xf32, #tpu.memory_space<vmem>>) target(%dma_start3A_15 : memref<6400xf32, #tpu.memory_space<vmem_shared>>) target_semaphore(%arg14 : memref<!tpu.dma_semaphore, #tpu.memory_space<semaphore_mem>>)
    %dma_wait3A = tpu.memref_slice %arg4[%mul3A_2] : memref<102400xi32, #tpu.memory_space<hbm>> -> memref<3200xi32, #tpu.memory_space<hbm>>
    %dma_wait3A_16 = tpu.memref_slice %arg4[%mul3A_2] : memref<102400xi32, #tpu.memory_space<hbm>> -> memref<3200xi32, #tpu.memory_space<hbm>>
    tpu.wait_dma2 semaphore(%arg13 : memref<!tpu.dma_semaphore, #tpu.memory_space<semaphore_mem>>) src(%dma_wait3A_16 : memref<3200xi32, #tpu.memory_space<hbm>>) dst(%arg9 : memref<3200xi32, #tpu.memory_space<vmem>>)
    "tpu.region"() ({
      %run_scoped3A = tpu.sem_alloc : memref<!tpu.dma_semaphore, #tpu.memory_space<semaphore_mem>>
      %dma_start3A_29 = arith.constant 0 : i32
      %dma_start3A_30 = tpu.memref_slice %arg3[%dma_start3A_29] : memref<12800000xf32, #tpu.memory_space<hbm>> -> memref<12800000xf32, #tpu.memory_space<hbm>>
      tpu.enqueue_indirect_dma source(%dma_start3A_30 : memref<12800000xf32, #tpu.memory_space<hbm>>) target(%arg10 : memref<3200xf32, #tpu.memory_space<vmem>>) offsets(%arg9 : memref<3200xi32, #tpu.memory_space<vmem>>) semaphore(%run_scoped3A : memref<!tpu.dma_semaphore, #tpu.memory_space<semaphore_mem>>)
      %dma_wait3A_31 = arith.constant 0 : i32
      %dma_wait3A_32 = tpu.memref_slice %arg3[%dma_wait3A_31] : memref<12800000xf32, #tpu.memory_space<hbm>> -> memref<12800000xf32, #tpu.memory_space<hbm>>
      tpu.wait_indirect_dma semaphore(%run_scoped3A : memref<!tpu.dma_semaphore, #tpu.memory_space<semaphore_mem>>) src(%dma_wait3A_32 : memref<12800000xf32, #tpu.memory_space<hbm>>) dst(%arg10 : memref<3200xf32, #tpu.memory_space<vmem>>)
      tpu.yield
    }) : () -> ()
    %eq3A_17 = arith.constant 31 : i32
    %eq3A_18 = arith.cmpi eq, %add3A, %eq3A_17 : i32
    %convert_element_type3A_19 = arith.extui %eq3A_18 : i1 to i32
    %cond3A_20 = arith.constant 0 : i32
    %cond3A_21 = arith.cmpi ne, %convert_element_type3A_19, %cond3A_20 : i32
    scf.if %cond3A_21 {
      "tpu.region"() ({
        %run_scoped3A = tpu.sem_alloc : memref<!tpu.dma_semaphore, #tpu.memory_space<semaphore_mem>>
        %dma_start3A_29 = arith.constant 800 : i32
        %dma_start3A_30 = tpu.memref_slice %arg10[%dma_start3A_29] : memref<3200xf32, #tpu.memory_space<vmem>> -> memref<2400xf32, #tpu.memory_space<vmem>>
        %dma_start3A_31 = arith.constant 0 : i32
        %dma_start3A_32 = tpu.memref_slice %arg5[%dma_start3A_31] : memref<102400xf32, #tpu.memory_space<hbm>> -> memref<2400xf32, #tpu.memory_space<hbm>>
        %dma_start3A_33 = arith.constant 800 : i32
        %dma_start3A_34 = tpu.memref_slice %arg10[%dma_start3A_33] : memref<3200xf32, #tpu.memory_space<vmem>> -> memref<2400xf32, #tpu.memory_space<vmem>>
        %dma_start3A_35 = arith.constant 0 : i32
        %dma_start3A_36 = tpu.memref_slice %arg5[%dma_start3A_35] : memref<102400xf32, #tpu.memory_space<hbm>> -> memref<2400xf32, #tpu.memory_space<hbm>>
        tpu.enqueue_dma source(%dma_start3A_36 : memref<2400xf32, #tpu.memory_space<hbm>>) target(%dma_start3A_34 : memref<2400xf32, #tpu.memory_space<vmem>>) target_semaphore(%run_scoped3A : memref<!tpu.dma_semaphore, #tpu.memory_space<semaphore_mem>>)
        %dma_wait3A_37 = arith.constant 800 : i32
        %dma_wait3A_38 = tpu.memref_slice %arg10[%dma_wait3A_37] : memref<3200xf32, #tpu.memory_space<vmem>> -> memref<2400xf32, #tpu.memory_space<vmem>>
        %dma_wait3A_39 = arith.constant 0 : i32
        %dma_wait3A_40 = tpu.memref_slice %arg5[%dma_wait3A_39] : memref<102400xf32, #tpu.memory_space<hbm>> -> memref<2400xf32, #tpu.memory_space<hbm>>
        %dma_wait3A_41 = arith.constant 800 : i32
        %dma_wait3A_42 = tpu.memref_slice %arg10[%dma_wait3A_41] : memref<3200xf32, #tpu.memory_space<vmem>> -> memref<2400xf32, #tpu.memory_space<vmem>>
        %dma_wait3A_43 = arith.constant 0 : i32
        %dma_wait3A_44 = tpu.memref_slice %arg5[%dma_wait3A_43] : memref<102400xf32, #tpu.memory_space<hbm>> -> memref<2400xf32, #tpu.memory_space<hbm>>
        tpu.wait_dma2 semaphore(%run_scoped3A : memref<!tpu.dma_semaphore, #tpu.memory_space<semaphore_mem>>) src(%dma_wait3A_44 : memref<2400xf32, #tpu.memory_space<hbm>>) dst(%dma_wait3A_42 : memref<2400xf32, #tpu.memory_space<vmem>>)
        tpu.yield
      }) : () -> ()
    } else {
    }
    %dma_wait3A_22 = tpu.memref_slice %arg12[%mul3A_13] : memref<102400xf32, #tpu.memory_space<vmem_shared>> -> memref<6400xf32, #tpu.memory_space<vmem_shared>>
    %dma_wait3A_23 = tpu.memref_slice %arg12[%mul3A_13] : memref<102400xf32, #tpu.memory_space<vmem_shared>> -> memref<6400xf32, #tpu.memory_space<vmem_shared>>
    tpu.wait_dma2 semaphore(%arg14 : memref<!tpu.dma_semaphore, #tpu.memory_space<semaphore_mem>>) src(%arg11 : memref<6400xf32, #tpu.memory_space<vmem>>) dst(%dma_wait3A_23 : memref<6400xf32, #tpu.memory_space<vmem_shared>>)
    %barrier3A = arith.constant 0 : index
    tpu.barrier barrier_id(%barrier3A)
    "tpu.region"() ({
      %run_scoped3A = tpu.sem_alloc : memref<!tpu.dma_semaphore, #tpu.memory_space<semaphore_mem>>
      %dma_start3A_29 = arith.constant 0 : i32
      %dma_start3A_30 = tpu.memref_slice %arg12[%dma_start3A_29] : memref<102400xf32, #tpu.memory_space<vmem_shared>> -> memref<102400xf32, #tpu.memory_space<vmem_shared>>
      tpu.enqueue_indirect_dma source(%arg10 : memref<3200xf32, #tpu.memory_space<vmem>>) target(%dma_start3A_30 : memref<102400xf32, #tpu.memory_space<vmem_shared>>) offsets(%arg8 : memref<3200xi32, #tpu.memory_space<vmem>>) semaphore(%run_scoped3A : memref<!tpu.dma_semaphore, #tpu.memory_space<semaphore_mem>>) {add = true}
      %dma_wait3A_31 = arith.constant 0 : i32
      %dma_wait3A_32 = tpu.memref_slice %arg12[%dma_wait3A_31] : memref<102400xf32, #tpu.memory_space<vmem_shared>> -> memref<102400xf32, #tpu.memory_space<vmem_shared>>
      tpu.wait_indirect_dma semaphore(%run_scoped3A : memref<!tpu.dma_semaphore, #tpu.memory_space<semaphore_mem>>) src(%arg10 : memref<3200xf32, #tpu.memory_space<vmem>>) dst(%dma_wait3A_32 : memref<102400xf32, #tpu.memory_space<vmem_shared>>)
      tpu.yield
    }) : () -> ()
    %barrier3A_24 = arith.constant 0 : index
    tpu.barrier barrier_id(%barrier3A_24)
    %mul3A_25 = arith.constant 6400 : i32
    %mul3A_26 = arith.muli %arg1, %mul3A_25 : i32
    "tpu.region"() ({
      %run_scoped3A = tpu.sem_alloc : memref<!tpu.dma_semaphore, #tpu.memory_space<semaphore_mem>>
      %dma_start3A_29 = tpu.memref_slice %arg12[%mul3A_26] : memref<102400xf32, #tpu.memory_space<vmem_shared>> -> memref<6400xf32, #tpu.memory_space<vmem_shared>>
      %dma_start3A_30 = tpu.memref_slice %arg12[%mul3A_26] : memref<102400xf32, #tpu.memory_space<vmem_shared>> -> memref<6400xf32, #tpu.memory_space<vmem_shared>>
      tpu.enqueue_dma source(%dma_start3A_30 : memref<6400xf32, #tpu.memory_space<vmem_shared>>) target(%arg11 : memref<6400xf32, #tpu.memory_space<vmem>>) target_semaphore(%run_scoped3A : memref<!tpu.dma_semaphore, #tpu.memory_space<semaphore_mem>>)
      %dma_wait3A_31 = tpu.memref_slice %arg12[%mul3A_26] : memref<102400xf32, #tpu.memory_space<vmem_shared>> -> memref<6400xf32, #tpu.memory_space<vmem_shared>>
      %dma_wait3A_32 = tpu.memref_slice %arg12[%mul3A_26] : memref<102400xf32, #tpu.memory_space<vmem_shared>> -> memref<6400xf32, #tpu.memory_space<vmem_shared>>
      tpu.wait_dma2 semaphore(%run_scoped3A : memref<!tpu.dma_semaphore, #tpu.memory_space<semaphore_mem>>) src(%dma_wait3A_32 : memref<6400xf32, #tpu.memory_space<vmem_shared>>) dst(%arg11 : memref<6400xf32, #tpu.memory_space<vmem>>)
      tpu.yield
    }) : () -> ()
    %mul3A_27 = arith.constant 6400 : i32
    %mul3A_28 = arith.muli %arg1, %mul3A_27 : i32
    "tpu.region"() ({
      %run_scoped3A = tpu.sem_alloc : memref<!tpu.dma_semaphore, #tpu.memory_space<semaphore_mem>>
      %dma_start3A_29 = tpu.memref_slice %arg7[%arg0, %mul3A_28] : memref<2x102400xf32, #tpu.memory_space<hbm>> -> memref<1x6400xf32, #tpu.memory_space<hbm>>
      %dma_start3A_30 = tpu.memref_squeeze %dma_start3A_29 : memref<1x6400xf32, #tpu.memory_space<hbm>> -> memref<6400xf32, #tpu.memory_space<hbm>>
      %dma_start3A_31 = tpu.memref_slice %arg7[%arg0, %mul3A_28] : memref<2x102400xf32, #tpu.memory_space<hbm>> -> memref<1x6400xf32, #tpu.memory_space<hbm>>
      %dma_start3A_32 = tpu.memref_squeeze %dma_start3A_31 : memref<1x6400xf32, #tpu.memory_space<hbm>> -> memref<6400xf32, #tpu.memory_space<hbm>>
      tpu.enqueue_dma source(%arg11 : memref<6400xf32, #tpu.memory_space<vmem>>) target(%dma_start3A_32 : memref<6400xf32, #tpu.memory_space<hbm>>) target_semaphore(%run_scoped3A : memref<!tpu.dma_semaphore, #tpu.memory_space<semaphore_mem>>)
      %dma_wait3A_33 = tpu.memref_slice %arg7[%arg0, %mul3A_28] : memref<2x102400xf32, #tpu.memory_space<hbm>> -> memref<1x6400xf32, #tpu.memory_space<hbm>>
      %dma_wait3A_34 = tpu.memref_squeeze %dma_wait3A_33 : memref<1x6400xf32, #tpu.memory_space<hbm>> -> memref<6400xf32, #tpu.memory_space<hbm>>
      %dma_wait3A_35 = tpu.memref_slice %arg7[%arg0, %mul3A_28] : memref<2x102400xf32, #tpu.memory_space<hbm>> -> memref<1x6400xf32, #tpu.memory_space<hbm>>
      %dma_wait3A_36 = tpu.memref_squeeze %dma_wait3A_35 : memref<1x6400xf32, #tpu.memory_space<hbm>> -> memref<6400xf32, #tpu.memory_space<hbm>>
      tpu.wait_dma2 semaphore(%run_scoped3A : memref<!tpu.dma_semaphore, #tpu.memory_space<semaphore_mem>>) src(%arg11 : memref<6400xf32, #tpu.memory_space<vmem>>) dst(%dma_wait3A_36 : memref<6400xf32, #tpu.memory_space<hbm>>)
      tpu.yield
    }) : () -> ()
    return
  }
}

module attributes {stable_mosaic.version = 14 : i64} {
  func.func @_gnn_tc_kernel(%arg0: i32, %arg1: memref<4096x128xf32, #tpu.memory_space<vmem>>, %arg2: memref<128x128xf32, #tpu.memory_space<vmem>>, %arg3: memref<1x128xf32, #tpu.memory_space<vmem>>, %arg4: memref<2x32x128xf32, #tpu.memory_space<vmem>>, %arg5: memref<4096x128xf32, #tpu.memory_space<vmem>>) attributes {dimension_semantics = [#tpu.dimension_semantics<arbitrary>], iteration_bounds = array<i64: 25>, scalar_prefetch = 0 : i64, scratch_operands = 0 : i64, tpu.core_type = #tpu.core_type<tc>, window_params = [{transform_indices = @transform_0, window_bounds = array<i64: 4096, 128>}, {pipeline_mode = #tpu.pipeline_mode<synchronous>, transform_indices = @transform_1, window_bounds = array<i64: 128, 128>}, {pipeline_mode = #tpu.pipeline_mode<synchronous>, transform_indices = @transform_2, window_bounds = array<i64: 1, 128>}, {transform_indices = @transform_3, window_bounds = array<i64: 2, 32, 128>}, {transform_indices = @transform_4, window_bounds = array<i64: 4096, 128>}]} {
    %get3A = arith.constant 0 : index
    %get3A_0 = arith.constant 0 : index
    %get3A_1 = vector.load %arg1[%get3A, %get3A_0] : memref<4096x128xf32, #tpu.memory_space<vmem>>, vector<4096x128xf32>
    %get3A_2 = arith.constant 0 : index
    %get3A_3 = arith.constant 0 : index
    %get3A_4 = vector.load %arg2[%get3A_2, %get3A_3] : memref<128x128xf32, #tpu.memory_space<vmem>>, vector<128x128xf32>
    %dot_general3A = arith.constant dense<0.000000e+00> : vector<4096x128xf32>
    %dot_general3A_5 = tpu.matmul %get3A_1, %get3A_4, %dot_general3A {dimension_numbers = #tpu.dot_dimension_numbers<[1], [0], [0], [1], [0, 0, 1, 1], [], []>, transpose_lhs_hint = false} : vector<4096x128xf32>, vector<128x128xf32>, vector<4096x128xf32> -> vector<4096x128xf32>
    %get3A_6 = arith.constant 0 : index
    %get3A_7 = arith.constant 0 : index
    %get3A_8 = vector.load %arg3[%get3A_6, %get3A_7] : memref<1x128xf32, #tpu.memory_space<vmem>>, vector<1x128xf32>
    %add3A = vector.broadcast %get3A_8 : vector<1x128xf32> to vector<4096x128xf32>
    %add3A_9 = arith.addf %dot_general3A_5, %add3A : vector<4096x128xf32>
    %max3A = arith.constant 0.000000e+00 : f32
    %max3A_10 = vector.broadcast %max3A : f32 to vector<4096x128xf32>
    %max3A_11 = arith.maximumf %add3A_9, %max3A_10 : vector<4096x128xf32>
    %get3A_12 = arith.constant 0 : index
    %get3A_13 = arith.constant 0 : index
    %get3A_14 = arith.constant 0 : index
    %get3A_15 = vector.load %arg4[%get3A_12, %get3A_13, %get3A_14] : memref<2x32x128xf32, #tpu.memory_space<vmem>>, vector<1x32x128xf32>
    %get3A_16 = vector.shape_cast %get3A_15 : vector<1x32x128xf32> to vector<32x128xf32>
    %get3A_17 = arith.constant 1 : index
    %get3A_18 = arith.constant 0 : index
    %get3A_19 = arith.constant 0 : index
    %get3A_20 = vector.load %arg4[%get3A_17, %get3A_18, %get3A_19] : memref<2x32x128xf32, #tpu.memory_space<vmem>>, vector<1x32x128xf32>
    %get3A_21 = vector.shape_cast %get3A_20 : vector<1x32x128xf32> to vector<32x128xf32>
    %add3A_22 = arith.addf %get3A_16, %get3A_21 : vector<32x128xf32>
    %iota3A = tpu.iota {dimensions = array<i32: 1>} : vector<1x128xi32>
    %eq3A = arith.constant 0 : i32
    %eq3A_23 = vector.broadcast %eq3A : i32 to vector<1x128xi32>
    %eq3A_24 = arith.cmpi eq, %iota3A, %eq3A_23 : vector<1x128xi32>
    %convert_element_type3A = arith.extui %eq3A_24 : vector<1x128xi1> to vector<1x128xi32>
    %convert_element_type3A_25 = arith.sitofp %convert_element_type3A : vector<1x128xi32> to vector<1x128xf32>
    %slice3A = vector.extract_strided_slice %add3A_22 {offsets = [0, 0], sizes = [1, 128], strides = [1, 1]} : vector<32x128xf32> to vector<1x128xf32>
    %dot_general3A_26 = arith.constant dense<0.000000e+00> : vector<128x128xf32>
    %dot_general3A_27 = tpu.matmul %slice3A, %convert_element_type3A_25, %dot_general3A_26 {dimension_numbers = #tpu.dot_dimension_numbers<[0], [0], [1], [1], [0, 1, 1, 1], [], []>, transpose_lhs_hint = false} : vector<1x128xf32>, vector<1x128xf32>, vector<128x128xf32> -> vector<128x128xf32>
    %slice3A_28 = vector.extract_strided_slice %add3A_22 {offsets = [1, 0], sizes = [1, 128], strides = [1, 1]} : vector<32x128xf32> to vector<1x128xf32>
    %dot_general3A_29 = arith.constant dense<0.000000e+00> : vector<128x128xf32>
    %dot_general3A_30 = tpu.matmul %slice3A_28, %convert_element_type3A_25, %dot_general3A_29 {dimension_numbers = #tpu.dot_dimension_numbers<[0], [0], [1], [1], [0, 1, 1, 1], [], []>, transpose_lhs_hint = false} : vector<1x128xf32>, vector<1x128xf32>, vector<128x128xf32> -> vector<128x128xf32>
    %slice3A_31 = vector.extract_strided_slice %add3A_22 {offsets = [2, 0], sizes = [1, 128], strides = [1, 1]} : vector<32x128xf32> to vector<1x128xf32>
    %dot_general3A_32 = arith.constant dense<0.000000e+00> : vector<128x128xf32>
    %dot_general3A_33 = tpu.matmul %slice3A_31, %convert_element_type3A_25, %dot_general3A_32 {dimension_numbers = #tpu.dot_dimension_numbers<[0], [0], [1], [1], [0, 1, 1, 1], [], []>, transpose_lhs_hint = false} : vector<1x128xf32>, vector<1x128xf32>, vector<128x128xf32> -> vector<128x128xf32>
    %slice3A_34 = vector.extract_strided_slice %add3A_22 {offsets = [3, 0], sizes = [1, 128], strides = [1, 1]} : vector<32x128xf32> to vector<1x128xf32>
    %dot_general3A_35 = arith.constant dense<0.000000e+00> : vector<128x128xf32>
    %dot_general3A_36 = tpu.matmul %slice3A_34, %convert_element_type3A_25, %dot_general3A_35 {dimension_numbers = #tpu.dot_dimension_numbers<[0], [0], [1], [1], [0, 1, 1, 1], [], []>, transpose_lhs_hint = false} : vector<1x128xf32>, vector<1x128xf32>, vector<128x128xf32> -> vector<128x128xf32>
    %slice3A_37 = vector.extract_strided_slice %add3A_22 {offsets = [4, 0], sizes = [1, 128], strides = [1, 1]} : vector<32x128xf32> to vector<1x128xf32>
    %dot_general3A_38 = arith.constant dense<0.000000e+00> : vector<128x128xf32>
    %dot_general3A_39 = tpu.matmul %slice3A_37, %convert_element_type3A_25, %dot_general3A_38 {dimension_numbers = #tpu.dot_dimension_numbers<[0], [0], [1], [1], [0, 1, 1, 1], [], []>, transpose_lhs_hint = false} : vector<1x128xf32>, vector<1x128xf32>, vector<128x128xf32> -> vector<128x128xf32>
    %slice3A_40 = vector.extract_strided_slice %add3A_22 {offsets = [5, 0], sizes = [1, 128], strides = [1, 1]} : vector<32x128xf32> to vector<1x128xf32>
    %dot_general3A_41 = arith.constant dense<0.000000e+00> : vector<128x128xf32>
    %dot_general3A_42 = tpu.matmul %slice3A_40, %convert_element_type3A_25, %dot_general3A_41 {dimension_numbers = #tpu.dot_dimension_numbers<[0], [0], [1], [1], [0, 1, 1, 1], [], []>, transpose_lhs_hint = false} : vector<1x128xf32>, vector<1x128xf32>, vector<128x128xf32> -> vector<128x128xf32>
    %slice3A_43 = vector.extract_strided_slice %add3A_22 {offsets = [6, 0], sizes = [1, 128], strides = [1, 1]} : vector<32x128xf32> to vector<1x128xf32>
    %dot_general3A_44 = arith.constant dense<0.000000e+00> : vector<128x128xf32>
    %dot_general3A_45 = tpu.matmul %slice3A_43, %convert_element_type3A_25, %dot_general3A_44 {dimension_numbers = #tpu.dot_dimension_numbers<[0], [0], [1], [1], [0, 1, 1, 1], [], []>, transpose_lhs_hint = false} : vector<1x128xf32>, vector<1x128xf32>, vector<128x128xf32> -> vector<128x128xf32>
    %slice3A_46 = vector.extract_strided_slice %add3A_22 {offsets = [7, 0], sizes = [1, 128], strides = [1, 1]} : vector<32x128xf32> to vector<1x128xf32>
    %dot_general3A_47 = arith.constant dense<0.000000e+00> : vector<128x128xf32>
    %dot_general3A_48 = tpu.matmul %slice3A_46, %convert_element_type3A_25, %dot_general3A_47 {dimension_numbers = #tpu.dot_dimension_numbers<[0], [0], [1], [1], [0, 1, 1, 1], [], []>, transpose_lhs_hint = false} : vector<1x128xf32>, vector<1x128xf32>, vector<128x128xf32> -> vector<128x128xf32>
    %slice3A_49 = vector.extract_strided_slice %add3A_22 {offsets = [8, 0], sizes = [1, 128], strides = [1, 1]} : vector<32x128xf32> to vector<1x128xf32>
    %dot_general3A_50 = arith.constant dense<0.000000e+00> : vector<128x128xf32>
    %dot_general3A_51 = tpu.matmul %slice3A_49, %convert_element_type3A_25, %dot_general3A_50 {dimension_numbers = #tpu.dot_dimension_numbers<[0], [0], [1], [1], [0, 1, 1, 1], [], []>, transpose_lhs_hint = false} : vector<1x128xf32>, vector<1x128xf32>, vector<128x128xf32> -> vector<128x128xf32>
    %slice3A_52 = vector.extract_strided_slice %add3A_22 {offsets = [9, 0], sizes = [1, 128], strides = [1, 1]} : vector<32x128xf32> to vector<1x128xf32>
    %dot_general3A_53 = arith.constant dense<0.000000e+00> : vector<128x128xf32>
    %dot_general3A_54 = tpu.matmul %slice3A_52, %convert_element_type3A_25, %dot_general3A_53 {dimension_numbers = #tpu.dot_dimension_numbers<[0], [0], [1], [1], [0, 1, 1, 1], [], []>, transpose_lhs_hint = false} : vector<1x128xf32>, vector<1x128xf32>, vector<128x128xf32> -> vector<128x128xf32>
    %slice3A_55 = vector.extract_strided_slice %add3A_22 {offsets = [10, 0], sizes = [1, 128], strides = [1, 1]} : vector<32x128xf32> to vector<1x128xf32>
    %dot_general3A_56 = arith.constant dense<0.000000e+00> : vector<128x128xf32>
    %dot_general3A_57 = tpu.matmul %slice3A_55, %convert_element_type3A_25, %dot_general3A_56 {dimension_numbers = #tpu.dot_dimension_numbers<[0], [0], [1], [1], [0, 1, 1, 1], [], []>, transpose_lhs_hint = false} : vector<1x128xf32>, vector<1x128xf32>, vector<128x128xf32> -> vector<128x128xf32>
    %slice3A_58 = vector.extract_strided_slice %add3A_22 {offsets = [11, 0], sizes = [1, 128], strides = [1, 1]} : vector<32x128xf32> to vector<1x128xf32>
    %dot_general3A_59 = arith.constant dense<0.000000e+00> : vector<128x128xf32>
    %dot_general3A_60 = tpu.matmul %slice3A_58, %convert_element_type3A_25, %dot_general3A_59 {dimension_numbers = #tpu.dot_dimension_numbers<[0], [0], [1], [1], [0, 1, 1, 1], [], []>, transpose_lhs_hint = false} : vector<1x128xf32>, vector<1x128xf32>, vector<128x128xf32> -> vector<128x128xf32>
    %slice3A_61 = vector.extract_strided_slice %add3A_22 {offsets = [12, 0], sizes = [1, 128], strides = [1, 1]} : vector<32x128xf32> to vector<1x128xf32>
    %dot_general3A_62 = arith.constant dense<0.000000e+00> : vector<128x128xf32>
    %dot_general3A_63 = tpu.matmul %slice3A_61, %convert_element_type3A_25, %dot_general3A_62 {dimension_numbers = #tpu.dot_dimension_numbers<[0], [0], [1], [1], [0, 1, 1, 1], [], []>, transpose_lhs_hint = false} : vector<1x128xf32>, vector<1x128xf32>, vector<128x128xf32> -> vector<128x128xf32>
    %slice3A_64 = vector.extract_strided_slice %add3A_22 {offsets = [13, 0], sizes = [1, 128], strides = [1, 1]} : vector<32x128xf32> to vector<1x128xf32>
    %dot_general3A_65 = arith.constant dense<0.000000e+00> : vector<128x128xf32>
    %dot_general3A_66 = tpu.matmul %slice3A_64, %convert_element_type3A_25, %dot_general3A_65 {dimension_numbers = #tpu.dot_dimension_numbers<[0], [0], [1], [1], [0, 1, 1, 1], [], []>, transpose_lhs_hint = false} : vector<1x128xf32>, vector<1x128xf32>, vector<128x128xf32> -> vector<128x128xf32>
    %slice3A_67 = vector.extract_strided_slice %add3A_22 {offsets = [14, 0], sizes = [1, 128], strides = [1, 1]} : vector<32x128xf32> to vector<1x128xf32>
    %dot_general3A_68 = arith.constant dense<0.000000e+00> : vector<128x128xf32>
    %dot_general3A_69 = tpu.matmul %slice3A_67, %convert_element_type3A_25, %dot_general3A_68 {dimension_numbers = #tpu.dot_dimension_numbers<[0], [0], [1], [1], [0, 1, 1, 1], [], []>, transpose_lhs_hint = false} : vector<1x128xf32>, vector<1x128xf32>, vector<128x128xf32> -> vector<128x128xf32>
    %slice3A_70 = vector.extract_strided_slice %add3A_22 {offsets = [15, 0], sizes = [1, 128], strides = [1, 1]} : vector<32x128xf32> to vector<1x128xf32>
    %dot_general3A_71 = arith.constant dense<0.000000e+00> : vector<128x128xf32>
    %dot_general3A_72 = tpu.matmul %slice3A_70, %convert_element_type3A_25, %dot_general3A_71 {dimension_numbers = #tpu.dot_dimension_numbers<[0], [0], [1], [1], [0, 1, 1, 1], [], []>, transpose_lhs_hint = false} : vector<1x128xf32>, vector<1x128xf32>, vector<128x128xf32> -> vector<128x128xf32>
    %slice3A_73 = vector.extract_strided_slice %add3A_22 {offsets = [16, 0], sizes = [1, 128], strides = [1, 1]} : vector<32x128xf32> to vector<1x128xf32>
    %dot_general3A_74 = arith.constant dense<0.000000e+00> : vector<128x128xf32>
    %dot_general3A_75 = tpu.matmul %slice3A_73, %convert_element_type3A_25, %dot_general3A_74 {dimension_numbers = #tpu.dot_dimension_numbers<[0], [0], [1], [1], [0, 1, 1, 1], [], []>, transpose_lhs_hint = false} : vector<1x128xf32>, vector<1x128xf32>, vector<128x128xf32> -> vector<128x128xf32>
    %slice3A_76 = vector.extract_strided_slice %add3A_22 {offsets = [17, 0], sizes = [1, 128], strides = [1, 1]} : vector<32x128xf32> to vector<1x128xf32>
    %dot_general3A_77 = arith.constant dense<0.000000e+00> : vector<128x128xf32>
    %dot_general3A_78 = tpu.matmul %slice3A_76, %convert_element_type3A_25, %dot_general3A_77 {dimension_numbers = #tpu.dot_dimension_numbers<[0], [0], [1], [1], [0, 1, 1, 1], [], []>, transpose_lhs_hint = false} : vector<1x128xf32>, vector<1x128xf32>, vector<128x128xf32> -> vector<128x128xf32>
    %slice3A_79 = vector.extract_strided_slice %add3A_22 {offsets = [18, 0], sizes = [1, 128], strides = [1, 1]} : vector<32x128xf32> to vector<1x128xf32>
    %dot_general3A_80 = arith.constant dense<0.000000e+00> : vector<128x128xf32>
    %dot_general3A_81 = tpu.matmul %slice3A_79, %convert_element_type3A_25, %dot_general3A_80 {dimension_numbers = #tpu.dot_dimension_numbers<[0], [0], [1], [1], [0, 1, 1, 1], [], []>, transpose_lhs_hint = false} : vector<1x128xf32>, vector<1x128xf32>, vector<128x128xf32> -> vector<128x128xf32>
    %slice3A_82 = vector.extract_strided_slice %add3A_22 {offsets = [19, 0], sizes = [1, 128], strides = [1, 1]} : vector<32x128xf32> to vector<1x128xf32>
    %dot_general3A_83 = arith.constant dense<0.000000e+00> : vector<128x128xf32>
    %dot_general3A_84 = tpu.matmul %slice3A_82, %convert_element_type3A_25, %dot_general3A_83 {dimension_numbers = #tpu.dot_dimension_numbers<[0], [0], [1], [1], [0, 1, 1, 1], [], []>, transpose_lhs_hint = false} : vector<1x128xf32>, vector<1x128xf32>, vector<128x128xf32> -> vector<128x128xf32>
    %slice3A_85 = vector.extract_strided_slice %add3A_22 {offsets = [20, 0], sizes = [1, 128], strides = [1, 1]} : vector<32x128xf32> to vector<1x128xf32>
    %dot_general3A_86 = arith.constant dense<0.000000e+00> : vector<128x128xf32>
    %dot_general3A_87 = tpu.matmul %slice3A_85, %convert_element_type3A_25, %dot_general3A_86 {dimension_numbers = #tpu.dot_dimension_numbers<[0], [0], [1], [1], [0, 1, 1, 1], [], []>, transpose_lhs_hint = false} : vector<1x128xf32>, vector<1x128xf32>, vector<128x128xf32> -> vector<128x128xf32>
    %slice3A_88 = vector.extract_strided_slice %add3A_22 {offsets = [21, 0], sizes = [1, 128], strides = [1, 1]} : vector<32x128xf32> to vector<1x128xf32>
    %dot_general3A_89 = arith.constant dense<0.000000e+00> : vector<128x128xf32>
    %dot_general3A_90 = tpu.matmul %slice3A_88, %convert_element_type3A_25, %dot_general3A_89 {dimension_numbers = #tpu.dot_dimension_numbers<[0], [0], [1], [1], [0, 1, 1, 1], [], []>, transpose_lhs_hint = false} : vector<1x128xf32>, vector<1x128xf32>, vector<128x128xf32> -> vector<128x128xf32>
    %slice3A_91 = vector.extract_strided_slice %add3A_22 {offsets = [22, 0], sizes = [1, 128], strides = [1, 1]} : vector<32x128xf32> to vector<1x128xf32>
    %dot_general3A_92 = arith.constant dense<0.000000e+00> : vector<128x128xf32>
    %dot_general3A_93 = tpu.matmul %slice3A_91, %convert_element_type3A_25, %dot_general3A_92 {dimension_numbers = #tpu.dot_dimension_numbers<[0], [0], [1], [1], [0, 1, 1, 1], [], []>, transpose_lhs_hint = false} : vector<1x128xf32>, vector<1x128xf32>, vector<128x128xf32> -> vector<128x128xf32>
    %slice3A_94 = vector.extract_strided_slice %add3A_22 {offsets = [23, 0], sizes = [1, 128], strides = [1, 1]} : vector<32x128xf32> to vector<1x128xf32>
    %dot_general3A_95 = arith.constant dense<0.000000e+00> : vector<128x128xf32>
    %dot_general3A_96 = tpu.matmul %slice3A_94, %convert_element_type3A_25, %dot_general3A_95 {dimension_numbers = #tpu.dot_dimension_numbers<[0], [0], [1], [1], [0, 1, 1, 1], [], []>, transpose_lhs_hint = false} : vector<1x128xf32>, vector<1x128xf32>, vector<128x128xf32> -> vector<128x128xf32>
    %slice3A_97 = vector.extract_strided_slice %add3A_22 {offsets = [24, 0], sizes = [1, 128], strides = [1, 1]} : vector<32x128xf32> to vector<1x128xf32>
    %dot_general3A_98 = arith.constant dense<0.000000e+00> : vector<128x128xf32>
    %dot_general3A_99 = tpu.matmul %slice3A_97, %convert_element_type3A_25, %dot_general3A_98 {dimension_numbers = #tpu.dot_dimension_numbers<[0], [0], [1], [1], [0, 1, 1, 1], [], []>, transpose_lhs_hint = false} : vector<1x128xf32>, vector<1x128xf32>, vector<128x128xf32> -> vector<128x128xf32>
    %slice3A_100 = vector.extract_strided_slice %add3A_22 {offsets = [25, 0], sizes = [1, 128], strides = [1, 1]} : vector<32x128xf32> to vector<1x128xf32>
    %dot_general3A_101 = arith.constant dense<0.000000e+00> : vector<128x128xf32>
    %dot_general3A_102 = tpu.matmul %slice3A_100, %convert_element_type3A_25, %dot_general3A_101 {dimension_numbers = #tpu.dot_dimension_numbers<[0], [0], [1], [1], [0, 1, 1, 1], [], []>, transpose_lhs_hint = false} : vector<1x128xf32>, vector<1x128xf32>, vector<128x128xf32> -> vector<128x128xf32>
    %slice3A_103 = vector.extract_strided_slice %add3A_22 {offsets = [26, 0], sizes = [1, 128], strides = [1, 1]} : vector<32x128xf32> to vector<1x128xf32>
    %dot_general3A_104 = arith.constant dense<0.000000e+00> : vector<128x128xf32>
    %dot_general3A_105 = tpu.matmul %slice3A_103, %convert_element_type3A_25, %dot_general3A_104 {dimension_numbers = #tpu.dot_dimension_numbers<[0], [0], [1], [1], [0, 1, 1, 1], [], []>, transpose_lhs_hint = false} : vector<1x128xf32>, vector<1x128xf32>, vector<128x128xf32> -> vector<128x128xf32>
    %slice3A_106 = vector.extract_strided_slice %add3A_22 {offsets = [27, 0], sizes = [1, 128], strides = [1, 1]} : vector<32x128xf32> to vector<1x128xf32>
    %dot_general3A_107 = arith.constant dense<0.000000e+00> : vector<128x128xf32>
    %dot_general3A_108 = tpu.matmul %slice3A_106, %convert_element_type3A_25, %dot_general3A_107 {dimension_numbers = #tpu.dot_dimension_numbers<[0], [0], [1], [1], [0, 1, 1, 1], [], []>, transpose_lhs_hint = false} : vector<1x128xf32>, vector<1x128xf32>, vector<128x128xf32> -> vector<128x128xf32>
    %slice3A_109 = vector.extract_strided_slice %add3A_22 {offsets = [28, 0], sizes = [1, 128], strides = [1, 1]} : vector<32x128xf32> to vector<1x128xf32>
    %dot_general3A_110 = arith.constant dense<0.000000e+00> : vector<128x128xf32>
    %dot_general3A_111 = tpu.matmul %slice3A_109, %convert_element_type3A_25, %dot_general3A_110 {dimension_numbers = #tpu.dot_dimension_numbers<[0], [0], [1], [1], [0, 1, 1, 1], [], []>, transpose_lhs_hint = false} : vector<1x128xf32>, vector<1x128xf32>, vector<128x128xf32> -> vector<128x128xf32>
    %slice3A_112 = vector.extract_strided_slice %add3A_22 {offsets = [29, 0], sizes = [1, 128], strides = [1, 1]} : vector<32x128xf32> to vector<1x128xf32>
    %dot_general3A_113 = arith.constant dense<0.000000e+00> : vector<128x128xf32>
    %dot_general3A_114 = tpu.matmul %slice3A_112, %convert_element_type3A_25, %dot_general3A_113 {dimension_numbers = #tpu.dot_dimension_numbers<[0], [0], [1], [1], [0, 1, 1, 1], [], []>, transpose_lhs_hint = false} : vector<1x128xf32>, vector<1x128xf32>, vector<128x128xf32> -> vector<128x128xf32>
    %slice3A_115 = vector.extract_strided_slice %add3A_22 {offsets = [30, 0], sizes = [1, 128], strides = [1, 1]} : vector<32x128xf32> to vector<1x128xf32>
    %dot_general3A_116 = arith.constant dense<0.000000e+00> : vector<128x128xf32>
    %dot_general3A_117 = tpu.matmul %slice3A_115, %convert_element_type3A_25, %dot_general3A_116 {dimension_numbers = #tpu.dot_dimension_numbers<[0], [0], [1], [1], [0, 1, 1, 1], [], []>, transpose_lhs_hint = false} : vector<1x128xf32>, vector<1x128xf32>, vector<128x128xf32> -> vector<128x128xf32>
    %slice3A_118 = vector.extract_strided_slice %add3A_22 {offsets = [31, 0], sizes = [1, 128], strides = [1, 1]} : vector<32x128xf32> to vector<1x128xf32>
    %dot_general3A_119 = arith.constant dense<0.000000e+00> : vector<128x128xf32>
    %dot_general3A_120 = tpu.matmul %slice3A_118, %convert_element_type3A_25, %dot_general3A_119 {dimension_numbers = #tpu.dot_dimension_numbers<[0], [0], [1], [1], [0, 1, 1, 1], [], []>, transpose_lhs_hint = false} : vector<1x128xf32>, vector<1x128xf32>, vector<128x128xf32> -> vector<128x128xf32>
    %concatenate3A = tpu.concatenate %dot_general3A_27, %dot_general3A_30, %dot_general3A_33, %dot_general3A_36, %dot_general3A_39, %dot_general3A_42, %dot_general3A_45, %dot_general3A_48, %dot_general3A_51, %dot_general3A_54, %dot_general3A_57, %dot_general3A_60, %dot_general3A_63, %dot_general3A_66, %dot_general3A_69, %dot_general3A_72, %dot_general3A_75, %dot_general3A_78, %dot_general3A_81, %dot_general3A_84, %dot_general3A_87, %dot_general3A_90, %dot_general3A_93, %dot_general3A_96, %dot_general3A_99, %dot_general3A_102, %dot_general3A_105, %dot_general3A_108, %dot_general3A_111, %dot_general3A_114, %dot_general3A_117, %dot_general3A_120 in 0 : vector<128x128xf32>, vector<128x128xf32>, vector<128x128xf32>, vector<128x128xf32>, vector<128x128xf32>, vector<128x128xf32>, vector<128x128xf32>, vector<128x128xf32>, vector<128x128xf32>, vector<128x128xf32>, vector<128x128xf32>, vector<128x128xf32>, vector<128x128xf32>, vector<128x128xf32>, vector<128x128xf32>, vector<128x128xf32>, vector<128x128xf32>, vector<128x128xf32>, vector<128x128xf32>, vector<128x128xf32>, vector<128x128xf32>, vector<128x128xf32>, vector<128x128xf32>, vector<128x128xf32>, vector<128x128xf32>, vector<128x128xf32>, vector<128x128xf32>, vector<128x128xf32>, vector<128x128xf32>, vector<128x128xf32>, vector<128x128xf32>, vector<128x128xf32> -> vector<4096x128xf32>
    %add3A_121 = arith.addf %max3A_11, %concatenate3A : vector<4096x128xf32>
    %swap3A = arith.constant 0 : index
    %swap3A_122 = arith.constant 0 : index
    %swap3A_123 = vector.load %arg5[%swap3A, %swap3A_122] : memref<4096x128xf32, #tpu.memory_space<vmem>>, vector<4096x128xf32>
    tpu.vector_store %arg5[%swap3A, %swap3A_122], %add3A_121 {strides = array<i32>} : memref<4096x128xf32, #tpu.memory_space<vmem>>, vector<4096x128xf32>,
    return
  }
  func.func @transform_0(%arg0: i32) -> (i32, i32) {
    %c0_i32 = arith.constant 0 : i32
    %c0_i32_0 = arith.constant 0 : i32
    return %arg0, %c0_i32 : i32, i32
  }
  func.func @transform_1(%arg0: i32) -> (i32, i32) {
    %c0_i32 = arith.constant 0 : i32
    %c0_i32_0 = arith.constant 0 : i32
    %c0_i32_1 = arith.constant 0 : i32
    return %c0_i32, %c0_i32_0 : i32, i32
  }
  func.func @transform_2(%arg0: i32) -> (i32, i32) {
    %c0_i32 = arith.constant 0 : i32
    %c0_i32_0 = arith.constant 0 : i32
    %c0_i32_1 = arith.constant 0 : i32
    return %c0_i32, %c0_i32_0 : i32, i32
  }
  func.func @transform_3(%arg0: i32) -> (i32, i32, i32) {
    %c0_i32 = arith.constant 0 : i32
    %c0_i32_0 = arith.constant 0 : i32
    %c0_i32_1 = arith.constant 0 : i32
    return %c0_i32, %arg0, %c0_i32_0 : i32, i32, i32
  }
  func.func @transform_4(%arg0: i32) -> (i32, i32) {
    %c0_i32 = arith.constant 0 : i32
    %c0_i32_0 = arith.constant 0 : i32
    return %arg0, %c0_i32 : i32, i32
  }
}

</mosaic_0001>

<sc_bundles>
// kernel: kernel.4.cloned.1.call-start
scs
__scs_entry_jumppad:
0x0: {  	(pc) =	sbr.rel $0x88, $3  }
0x1: {  	(tag) =	ssettag $0x0;
	lr =	simm.s32 $0x1  }
0x2: {  	[smem:$0x3F9D] =	sst lr;
	_ =	strace $0xD0000000  }
0x3: {  	_ = 	snop  }
0x4: {  	_ = 	snop  }
0x5: {  	_ = 	snop  }
0x6: {  	_ = 	snop  }
0x7: {  	_ = 	snop  }
__scs_overlays_trampoline_lowered:
0x8: {  	[smem:$0x3FAC] =	sst s0  }
0x9: {  	[smem:$0x3FAD] =	sst s1  }
0xa: {  	[smem:$0x3FAE] =	sst s2  }
0xb: {  	[smem:$0x3FAF] =	sst s3  }
0xc: {  	[smem:$0x3FB0] =	sst s4  }
0xd: {  	[smem:$0x3FB1] =	sst s5  }
0xe: {  	[smem:$0x3FB2] =	sst s6  }
0xf: {  	[smem:$0x3FB3] =	sst s7  }
0x10: {  	[smem:$0x3FB4] =	sst s8  }
0x11: {  	[smem:$0x3FB5] =	sst s9;
	s0 =	simm.s32 @!p0 $0x0  }
0x12: {  	s1 =	sld [smem:$0x3F9B];
	s0 =	simm.s32 @p0 $0x1  }
0x13: {  	[smem:$0x3FB6] =	sst s0;
	s0 =	simm.s32 @!p1 $0x0  }
0x14: {  	s2 =	sld [smem:$0x3F9A];
	s0 =	simm.s32 @p1 $0x1  }
0x15: {  	[smem:$0x3FB7] =	sst s0;
	s0 =	simm.s32 @!p2 $0x0  }
0x16: {  	s3 =	sld [smem:$0x3FDB];
	s0 =	simm.s32 @p2 $0x1  }
0x17: {  	s4 =	simm.s32 $0x1BF5;
	[smem:$0x3FB9] =	sst s0  }
0x18: {  	s0 =	sld [smem:$0x3F9C];
	_ =	swait.ge [sflag:s4], $0x0  }
0x19: {  	s7 =	sld [smem:$0x3F9D]  }
0x1a: {  	s8 =	sadd.s32 $0xFFFFE003, lr  }
0x1b: {  	s9 =	sadd.s32 $0xFFFFFEF7, lr;
	s5 =	simm.s32 $0xFFFFFFFF;
	p2 =	slt.u32 s8, $0xFFFFF086  }
0x1c: {  	p1 =	slt.u32 s9, $0xF7A;
	s5 =	simm.s32 @!p2 $0x0  }
0x1d: {  	s5 =	simm.s32 @p1 $0x1;
	p0 =	seq.s32 s7, s2  }
0x1e: {  	s7 =	smul.u32 @!p0 $0xF7A, s2;
	p2 =	seq.s32 @!p0 s5, $0x0  }
0x1f: {  	s9 =	smul.u32 $0xF7A, s1;
	s8 =	simm.s32 @!p0 $0x1BF5;
	p2 =	por !p2, p0  }
0x20: {  	[sflag:s8] =	ssyncset.s32 @!p0 $0xFFFFF086;
	s6 =	sadd.s32 @!p0 s3, s7;
	s7 =	simm.s32 @!p0 $0x108  }
0x21: {  	s3 =	sadd.s32 s3, s9;
	s6 =	sadd.s32 @!p0 $0x88, s6;
	s7 =	simm.s32 @p2 $0x1082  }
0x22: {  	[simem:s7], [sflag:s8] =	dma.local @!p0 [hbm:s6], $0xF7A  }
0x23: {  	s9 =	sor.u32 $0xD0000000, s2;
	s6 =	simm.s32 $0x108;
	_ =	swait.ge @!p0 [sflag:s8], $0x0  }
0x24: {  	s3 =	sadd.s32 $0x88, s3;
	s6 =	simm.s32 @!p1 $0x1082;
	[sflag:s4] =	ssyncset.s32 $0xFFFFF086  }
0x25: {  	[simem:s6], [sflag:s4] =	dma.local [hbm:s3], $0xF7A  }
0x26: {  	[smem:$0x3F9D] =	sst s1;
	(tag) =	ssettag s2;
	_ =	strace s9  }
0x27: {  	s1 =	sld [smem:$0x3FAD]  }
0x28: {  	s2 =	sld [smem:$0x3FAE]  }
0x29: {  	s4 =	sld [smem:$0x3FB0]  }
0x2a: {  	p0 =	seq.s32 s5, $0x0;
	s5 =	sld [smem:$0x3FB1]  }
0x2b: {  	s6 =	sld [smem:$0x3FB2]  }
0x2c: {  	s7 =	sld [smem:$0x3FB3]  }
0x2d: {  	s3 =	simm.s32 $0x108;
	s8 =	sld [smem:$0x3FB4]  }
0x2e: {  	s3 =	simm.s32 @!p0 $0x1082;
	s9 =	sld [smem:$0x3FB5]  }
0x2f: {  	lr =	sadd.s32 s0, s3;
	s0 =	sld [smem:$0x3FAC]  }
0x30: {  	s3 =	sld [smem:$0x3FAF]  }
0x31: {  	[smem:$0x3FB8] =	sst s10  }
0x32: {  	s10 =	sld [smem:$0x3FB6];
	_ =	sdelay $0x3  }
0x33: {  	p0 =	seq.s32 s10, $0x1;
	s10 =	sld [smem:$0x3FB8];
	_ =	sdelay $0x3  }
0x34: {  	[smem:$0x3FB8] =	sst s10  }
0x35: {  	s10 =	sld [smem:$0x3FB7];
	_ =	sdelay $0x3  }
0x36: {  	p1 =	seq.s32 s10, $0x1;
	s10 =	sld [smem:$0x3FB8];
	_ =	sdelay $0x3  }
0x37: {  	[smem:$0x3FB8] =	sst s10  }
0x38: {  	s10 =	sld [smem:$0x3FB9]  }
0x39: {  	_ = 	snop;
	(pc) =	sbr.ind lr, $3  }
0x3a: {  	_ = 	snop  }
0x3b: {  	_ = 	snop  }
0x3c: {  	p2 =	seq.s32 s10, $0x1;
	s10 =	sld [smem:$0x3FB8]  }
0x3d: {  	_ =	shalt  }
0x3e: {  	_ =	shalt  }
0x3f: {  	_ =	shalt  }
0x40: {  	_ =	shalt  }
0x41: {  	_ =	shalt  }
0x42: {  	_ =	shalt  }
0x43: {  	_ =	shalt  }
0x44: {  	_ =	shalt  }
0x45: {  	_ =	shalt  }
0x46: {  	_ =	shalt  }
0x47: {  	_ =	shalt  }
0x48: {  	_ =	shalt  }
0x49: {  	_ =	shalt  }
0x4a: {  	_ =	shalt  }
0x4b: {  	_ =	shalt  }
0x4c: {  	_ =	shalt  }
0x4d: {  	_ =	shalt  }
0x4e: {  	_ =	shalt  }
0x4f: {  	_ =	shalt  }
0x50: {  	_ =	shalt  }
0x51: {  	_ =	shalt  }
0x52: {  	_ =	shalt  }
0x53: {  	_ =	shalt  }
0x54: {  	_ =	shalt  }
0x55: {  	_ =	shalt  }
0x56: {  	_ =	shalt  }
0x57: {  	_ =	shalt  }
0x58: {  	_ =	shalt  }
0x59: {  	_ =	shalt  }
0x5a: {  	_ =	shalt  }
0x5b: {  	_ =	shalt  }
0x5c: {  	_ =	shalt  }
0x5d: {  	_ =	shalt  }
0x5e: {  	_ =	shalt  }
0x5f: {  	_ =	shalt  }
0x60: {  	_ =	shalt  }
0x61: {  	_ =	shalt  }
0x62: {  	_ =	shalt  }
0x63: {  	_ =	shalt  }
0x64: {  	_ =	shalt  }
0x65: {  	_ =	shalt  }
0x66: {  	_ =	shalt  }
0x67: {  	_ =	shalt  }
0x68: {  	_ =	shalt  }
0x69: {  	_ =	shalt  }
0x6a: {  	_ =	shalt  }
0x6b: {  	_ =	shalt  }
0x6c: {  	_ =	shalt  }
0x6d: {  	_ =	shalt  }
0x6e: {  	_ =	shalt  }
0x6f: {  	_ =	shalt  }
0x70: {  	_ =	shalt  }
0x71: {  	_ =	shalt  }
0x72: {  	_ =	shalt  }
0x73: {  	_ =	shalt  }
0x74: {  	_ =	shalt  }
0x75: {  	_ =	shalt  }
0x76: {  	_ =	shalt  }
0x77: {  	_ =	shalt  }
0x78: {  	_ =	shalt  }
0x79: {  	_ =	shalt  }
0x7a: {  	_ =	shalt  }
0x7b: {  	_ =	shalt  }
0x7c: {  	_ =	shalt  }
0x7d: {  	_ =	shalt  }
0x7e: {  	_ =	shalt  }
0x7f: {  	_ =	shalt  }
0x80: {  	_ =	shalt  }
0x81: {  	_ =	shalt  }
0x82: {  	_ =	shalt  }
0x83: {  	_ =	shalt  }
0x84: {  	_ =	shalt  }
0x85: {  	_ =	shalt  }
0x86: {  	_ =	shalt  }
0x87: {  	_ =	shalt  }
.Lfunc_end0:
.L_simem_size_0:
called_computation_lowered:
.L_overlay_start_0:
0x88: {  	s2 =	sld [smem:$0x3FD9]  }
0x89: {  	s3 =	sld [smem:$0x3FFE];
	_ =	sdelay $0x1  }
0x8a: {  	s1 =	srdreg.scid  }
0x8b: {  	s0 =	sand.u32 $0x1, s1  }
0x8c: {  	s17 =	sshll.u32 s0, $0xA;
	s2 =	sadd.s32 s3, s2  }
0x8d: {  	s2 =	sadd.s32 s2, s17  }
0x8e: {  	[smem:$0x3FC4] =	sst s2  }
0x8f: {  	_ = 	snop  }
0x90: {  	s2 =	sld [smem:$0x3FC9]  }
0x91: {  	s18 =	sld [smem:$0x3FD0];
	(tm) =	ssettm $0x1  }
0x92: {  	s4 =	sld [smem:$0x3FFB];
	_ =	sdelay $0x3  }
0x93: {  	_ =	strace s4  }
0x94: {  	s4 =	sld [smem:$0x3FFC];
	_ =	sdelay $0x3  }
0x95: {  	_ =	strace s4  }
0x96: {  	s4 =	sld [smem:$0x3FFD];
	_ =	sdelay $0x3  }
0x97: {  	_ =	strace s4  }
0x98: {  	_ =	strace $0x8FFFFFFF  }
0x99: {  	s19 =	sld [smem:$0x3FDB];
	_ =	sdelay $0x1  }
0x9a: {  	s5 =	simm.s32 $_scs_section_size  }
0x9b: {  	s6 =	simm.s32 $_size__tile_overlayer_lowered;
	s7 =	simm.s32 $_tile_overlayer_lowered  }
0x9c: {  	s22 =	simm.s32 $0x1BFF;
	s21 =	sshll.u32 s7, $0x1;
	s4 =	sadd.s32 s5, s19  }
0x9d: {  	s8 =	simm.s32 $0x0;
	s20 =	sshll.u32 s6, $0x1;
	s6 =	sadd.s32 s21, s4  }
0x9e: {  	[timem:s8], [sflag:s22] =	dma.local [hbm:s6], s20  }
0x9f: {  	_ =	swait.ge [sflag:s22], s20  }
0xa0: {  	s5 =	ssub.s32 $0x0, s20;
	[sflag:s22] =	ssyncset.done $0x0  }
0xa1: {  	[sflag:s22] =	ssyncadd.s32 s5;
	_ =	sdelay $0x1  }
0xa2: {  	s23 =	simm.s32 $0x1B8B  }
0xa3: {  	_ =	swait.ge [sflag:s23], $0x1  }
0xa4: {  	[sflag:s23] =	ssyncset.done $0x0  }
0xa5: {  	s25 =	simm.s32 $0x1B8E;
	s24 =	sld [smem:$0x3FFE];
	[sflag:s23] =	ssyncadd.s32 $0xFFFFFFFF  }
0xa6: {  	s26 =	simm.s32 $execute0_lowered;
	[smem:$0x3FD2] =	sst s25  }
0xa7: {  	s6 =	sshll.u32 s26, $0x1;
	_ =	strace $0x80000046;
	[dreg:$0x1] =	wrdreg $0xFFFFFFFF  }
0xa8: {  	s28 =	simm.s32 $_size_execute0_lowered;
	s4 =	sadd.s32 s4, s6;
	[dreg:$0x0] =	wrdreg $0x0  }
0xa9: {  	s6 =	sshll.u32 s28, $0x1;
	[dreg:$0x2] =	wrdreg s4  }
0xaa: {  	[dreg:$0x3] =	wrdreg s6  }
0xab: {  	[dreg:$0x4] =	wrdreg $0xC0  }
0xac: {  	_ =	task [dreg:s8], $0x5FFFF  }
0xad: {  	[dreg:$0x1] =	wrdreg $0xFFFFFFFF  }
0xae: {  	[dreg:$0x0] =	wrdreg $0x60  }
0xaf: {  	[dreg:$0x2] =	wrdreg s24  }
0xb0: {  	[dreg:$0x3] =	wrdreg s2  }
0xb1: {  	[dreg:$0x4] =	wrdreg s18  }
0xb2: {  	[dreg:$0x5] =	wrdreg $0x3E800  }
0xb3: {  	[dreg:$0x6] =	wrdreg $0x9  }
0xb4: {  	_ =	task.clear_ibuf [dreg:s8], $0x7FFFF;
	_ =	strace $0x90000046  }
0xb5: {  	s29 =	simm.s32 $0x9;
	_ =	strace $0x80000048  }
0xb6: {  	_ =	swait.ge [sflag:s29], $0x1  }
0xb7: {  	[sflag:s29] =	ssyncadd.s32 $0xFFFFFFFF  }
0xb8: {  	_ =	strace $0x90000048  }
0xb9: {  	_ =	sfence  }
0xba: {  	s30 =	sld [smem:$0x0];
	_ =	sdelay $0x2  }
0xbb: {  	s31 =	sshll.u32 s1, $0xD;
	s1 =	sshrl.u32 s1, $0x2  }
0xbc: {  	s3 =	sand.u32 $0x4000, s31;
	s1 =	sadd.s32 s1, s30  }
0xbd: {  	s0 =	sor.u32 s3, s0;
	s1 =	sshll.u32 s1, $0x11  }
0xbe: {  	s0 =	sor.u32 s1, s0  }
0xbf: {  	s0 =	sadd.s32 $0x8F2B, s0  }
0xc0: {  	[sflag:s0] =	ssyncadd.remote.s32 $0x1  }
0xc1: {  	_ =	sfence.sel $0xFFFF  }
0xc2: {  	[dreg:$0x0] =	wrdreg $0xFFFFFFFF;
	(pc) =	sbr.abs _section_cstart, $3  }
0xc3: {  	[dreg:$0x1] =	wrdreg $0xFFFFFFFF  }
0xc4: {  	_ =	task.clear_ibuf [dreg:s8], $0x2FFFF;
	_ =	strace $0x9FFFFFFF  }
0xc5: {  	(tm) =	ssettm $0x7FFFFFFF  }
tec
execute0_lowered:
.L_overlay_start_1:
0x0: {  	(tag) =	ssettag $0x1  }
0x1: {  	s0 =	srdreg.scid  }
0x2: {  	s28 =	sand.u32 $0x1, s0  }
0x3: {  	s15 =	rddreg [dreg:$0x0];
	s0 =	stileid.u32;
	s1 =	sshll.u32 s28, $0x4  }
0x4: {  	s2 =	rddreg [dreg:$0x1];
	s22 =	sor.u32 s0, s1  }
0x5: {  	s26 =	rddreg [dreg:$0x2];
	s5 =	smul.u32 $0xC80, s22  }
0x6: {  	s3 =	rddreg [dreg:$0x3];
	s4 =	simm.s32 $0x0  }
0x7: {  	[smem:$0x7FF] =	sst s4;
	s5 =	sshrl.u32 s5, $0x3  }
0x8: {  	s6 =	simm.s32 $0xC80;
	s1 =	rddreg [dreg:$0x4];
	s12 =	sadd.s32 s15, s5  }
0x9: {  	_ =	strace $0x80000047;
	p0 =	seq.s32 s22, $0x1F;
	s5 =	sadd.s32 $0x800, s12  }
0xa: {  	[tilespmem:s6], [sflag:$0x1] =	stream.linear.gather [hbm4b:s5+s4], $0xC80, $0x38;
	[tilespmem:$0x5780] =	vst v63  }
0xb: {  	s7 =	sadd.s32 $0x9B44, s15;
	s8 =	simm.s32 @p0 $0x0;
	s9 =	simm.s32 @p0 $0x3  }
0xc: {  	[tilespmem:s8], [sflag:$0x3] =	stream.linear.gather @p0 [hbm4b:s7+s8], $0x320, $0x38;
	[tilespmem:$0x5780] =	vst v63  }
0xd: {  	_ =	swait.ge @p0 [sflag:s9], $0x320  }
0xe: {  	[sflag:s9] =	ssyncset.done @p0 $0x0  }
0xf: {  	s10 =	sadd.s32 $0x9C00, s15;
	s11 =	simm.s32 @p0 $0x320;
	[sflag:s9] =	ssyncadd.s32 @p0 $0xFFFFFCE0  }
0x10: {  	[tilespmem:s11], [sflag:$0x3] =	stream.linear.gather @p0 [hbm4b:s10+s8], $0x960, $0x38;
	[tilespmem:$0x5780] =	vst v63  }
0x11: {  	_ =	swait.ge @p0 [sflag:s9], $0x960  }
0x12: {  	s19 =	smul.u32 $0x1900, s0;
	s13 =	simm.s32 @!p0 $0x0;
	[sflag:s9] =	ssyncset.done @p0 $0x0  }
0x13: {  	s14 =	simm.s32 @!p0 $0x3;
	s12 =	sadd.s32 $0x6AD4, s12;
	[sflag:s9] =	ssyncadd.s32 @p0 $0xFFFFF6A0  }
0x14: {  	[tilespmem:s13], [sflag:$0x3] =	stream.linear.gather @!p0 [hbm4b:s12+s13], $0xC80, $0x38;
	[tilespmem:$0x5780] =	vst v63  }
0x15: {  	s18 =	simm.s32 $0x2580;
	_ =	swait.ge @!p0 [sflag:s14], $0xC80  }
0x16: {  	s16 =	sshrl.u32 s19, $0x3;
	s15 =	sadd.s32 $0x9E00, s15;
	[sflag:s14] =	ssyncset.done @!p0 $0x0  }
0x17: {  	s17 =	simm.s32 $0x3;
	s16 =	sadd.s32 s15, s16;
	[sflag:s14] =	ssyncadd.s32 @!p0 $0xFFFFF380  }
0x18: {  	[tilespmem:s18], [sflag:$0x3] =	stream.linear.gather [hbm4b:s16+s4], $0x1900, $0x38;
	[tilespmem:$0x5780] =	vst v63  }
0x19: {  	_ =	swait.ge [sflag:s17], $0x1900  }
0x1a: {  	[sflag:s17] =	ssyncset.done $0x0  }
0x1b: {  	s20 =	simm.s32 $0x1;
	s19 =	sadd.s32 s19, s3;
	[sflag:s17] =	ssyncadd.s32 $0xFFFFE700  }
0x1c: {  	[spmem:s19] =	stream.linear.scatter [tilespmem:s18], [sflag:$0x2], $0x1900, $0x38;
	[tilespmem:$0x5780] =	vst v63  }
0x1d: {  	_ =	swait.ge [sflag:s20], $0xC80  }
0x1e: {  	[sflag:s20] =	ssyncset.done $0x0  }
0x1f: {  	s21 =	simm.s32 $0x1900;
	[sflag:s20] =	ssyncadd.s32 $0xFFFFF380  }
0x20: {  	[tilespmem:s21], [sflag:$0x3] =	stream.indirect.gather [hbm4b:s2+s6], $0x1, s6, s6, $0xb8;
	[tilespmem:$0x5780] =	vst v63  }
0x21: {  	p1 =	sne.s32 s22, $0x1F;
	_ =	swait.ge [sflag:s17], $0xC80  }
0x22: {  	s22 =	simm.s32 @!p1 $0x0;
	[sflag:s17] =	ssyncset.done $0x0  }
0x23: {  	s23 =	simm.s32 @!p1 $0x1C20;
	s24 =	simm.s32 @!p1 $0x3;
	[sflag:s17] =	ssyncadd.s32 $0xFFFFF380  }
0x24: {  	[tilespmem:s23], [sflag:$0x3] =	stream.linear.gather @!p1 [hbm4b:s15+s22], $0x960, $0x38;
	[tilespmem:$0x5780] =	vst v63  }
0x25: {  	_ =	swait.ge @!p1 [sflag:s24], $0x960  }
0x26: {  	[sflag:s24] =	ssyncset.done @!p1 $0x0  }
0x27: {  	s25 =	simm.s32 $0x2;
	[sflag:s24] =	ssyncadd.s32 @!p1 $0xFFFFF6A0  }
0x28: {  	_ =	swait.ge [sflag:s25], $0x1900  }
0x29: {  	[sflag:s25] =	ssyncset.done $0x0  }
0x2a: {  	[sflag:s25] =	ssyncadd.s32 $0xFFFFE700  }
0x2b: {  	s29 =	ssub.s32 $0x2, s28;
	s30 =	smul.u32 $0x3200, s0;
	[bflag:$0x0] =	sbarrier.arrive $0xFFFF  }
0x2c: {  	[spmem:s3] =	stream.indirect.scatter.add.f32 [tilespmem:s21], [sflag:$0x3], $0x1, s4, s6, $0xb8;
	[tilespmem:$0x5780] =	vst v63  }
0x2d: {  	s28 =	sshll.u32 s28, $0x7;
	s31 =	sshrl.u32 s29, $0x1;
	_ =	swait.ge [sflag:s17], $0xC80  }
0x2e: {  	s29 =	ssub.s32 s29, s31;
	s28 =	sor.u32 s28, s30;
	[sflag:s17] =	ssyncset.done $0x0  }
0x2f: {  	s28 =	sshrl.u32 s28, $0x3;
	s29 =	smax.u32 s29, $0x1;
	[sflag:s17] =	ssyncadd.s32 $0xFFFFF380  }
0x30: {  	s26 =	sadd.s32 s26, s28;
	s28 =	sadd.s32 $0xFFFFFFFF, s29;
	[bflag:$0x0] =	sbarrier.arrive $0xFFFF  }
0x31: {  	[tilespmem:s18], [sflag:$0x3] =	stream.linear.gather [spmem:s19], $0x1900, $0x38;
	[tilespmem:$0x5780] =	vst v63  }
0x32: {  	p2 =	sne.s32 s28, $0x0;
	_ =	swait.ge [sflag:s17], $0x1900  }
.Ltmp0:
0x33: {  	[sflag:s17] =	ssyncset.done $0x0;
	(pc) =	sbr.rel @!p2 .LBB2_2-.Ltmp0, $4  }
0x34: {  	s30 =	simm.s32 $0x100;
	s29 =	simm.s32 $0x80;
	[sflag:s17] =	ssyncadd.s32 $0xFFFFE700  }
0x35: {  	[hbm4b:s26+s29] =	stream.strided.scatter [tilespmem:s18], [sflag:$0x3], $0x1900, s30, s29, $0x38;
	[tilespmem:$0x5780] =	vst v63  }
0x36: {  	_ =	swait.ge [sflag:s17], $0x1900  }
0x37: {  	[sflag:s17] =	ssyncset.done $0x0  }
.LBB2_1:
0x38: {  	s28 =	sadd.s32 $0xFFFFFFFF, s28;
	[sflag:s17] =	ssyncadd.s32 $0xFFFFE700  }
0x39: {  	[tilespmem:s6], [sflag:$0x1] =	stream.linear.gather [hbm4b:s5+s4], $0xC80, $0x38;
	[tilespmem:$0x5780] =	vst v63  }
0x3a: {  	p2 =	sne.s32 s28, $0x0  }
0x3b: {  	[tilespmem:s8], [sflag:$0x3] =	stream.linear.gather @p0 [hbm4b:s7+s8], $0x320, $0x38;
	[tilespmem:$0x5780] =	vst v63  }
0x3c: {  	_ =	swait.ge @p0 [sflag:s9], $0x320  }
0x3d: {  	[sflag:s9] =	ssyncset.done @p0 $0x0  }
0x3e: {  	[sflag:s9] =	ssyncadd.s32 @p0 $0xFFFFFCE0  }
0x3f: {  	[tilespmem:s11], [sflag:$0x3] =	stream.linear.gather @p0 [hbm4b:s10+s8], $0x960, $0x38;
	[tilespmem:$0x5780] =	vst v63  }
0x40: {  	_ =	swait.ge @p0 [sflag:s9], $0x960  }
0x41: {  	[sflag:s9] =	ssyncset.done @p0 $0x0  }
0x42: {  	[sflag:s9] =	ssyncadd.s32 @p0 $0xFFFFF6A0  }
0x43: {  	[tilespmem:s13], [sflag:$0x3] =	stream.linear.gather @!p0 [hbm4b:s12+s13], $0xC80, $0x38;
	[tilespmem:$0x5780] =	vst v63  }
0x44: {  	_ =	swait.ge @!p0 [sflag:s14], $0xC80  }
0x45: {  	[sflag:s14] =	ssyncset.done @!p0 $0x0  }
0x46: {  	[sflag:s14] =	ssyncadd.s32 @!p0 $0xFFFFF380  }
0x47: {  	[tilespmem:s18], [sflag:$0x3] =	stream.linear.gather [hbm4b:s16+s4], $0x1900, $0x38;
	[tilespmem:$0x5780] =	vst v63  }
0x48: {  	_ =	swait.ge [sflag:s17], $0x1900  }
0x49: {  	[sflag:s17] =	ssyncset.done $0x0  }
0x4a: {  	[sflag:s17] =	ssyncadd.s32 $0xFFFFE700  }
0x4b: {  	[spmem:s19] =	stream.linear.scatter [tilespmem:s18], [sflag:$0x2], $0x1900, $0x38;
	[tilespmem:$0x5780] =	vst v63  }
0x4c: {  	_ =	swait.ge [sflag:s20], $0xC80  }
0x4d: {  	[sflag:s20] =	ssyncset.done $0x0  }
0x4e: {  	[sflag:s20] =	ssyncadd.s32 $0xFFFFF380  }
0x4f: {  	[tilespmem:s21], [sflag:$0x3] =	stream.indirect.gather [hbm4b:s2+s6], $0x1, s6, s6, $0xb8;
	[tilespmem:$0x5780] =	vst v63  }
0x50: {  	_ =	swait.ge [sflag:s17], $0xC80  }
0x51: {  	[sflag:s17] =	ssyncset.done $0x0  }
0x52: {  	[sflag:s17] =	ssyncadd.s32 $0xFFFFF380  }
0x53: {  	[tilespmem:s23], [sflag:$0x3] =	stream.linear.gather @!p1 [hbm4b:s15+s22], $0x960, $0x38;
	[tilespmem:$0x5780] =	vst v63  }
0x54: {  	_ =	swait.ge @!p1 [sflag:s24], $0x960  }
0x55: {  	[sflag:s24] =	ssyncset.done @!p1 $0x0  }
0x56: {  	[sflag:s24] =	ssyncadd.s32 @!p1 $0xFFFFF6A0  }
0x57: {  	_ =	swait.ge [sflag:s25], $0x1900  }
0x58: {  	[sflag:s25] =	ssyncset.done $0x0  }
0x59: {  	[sflag:s25] =	ssyncadd.s32 $0xFFFFE700  }
0x5a: {  	[bflag:$0x0] =	sbarrier.arrive $0xFFFF  }
0x5b: {  	[spmem:s3] =	stream.indirect.scatter.add.f32 [tilespmem:s21], [sflag:$0x3], $0x1, s4, s6, $0xb8;
	[tilespmem:$0x5780] =	vst v63  }
0x5c: {  	_ =	swait.ge [sflag:s17], $0xC80  }
0x5d: {  	[sflag:s17] =	ssyncset.done $0x0  }
0x5e: {  	[sflag:s17] =	ssyncadd.s32 $0xFFFFF380  }
0x5f: {  	[bflag:$0x0] =	sbarrier.arrive $0xFFFF  }
0x60: {  	[tilespmem:s18], [sflag:$0x3] =	stream.linear.gather [spmem:s19], $0x1900, $0x38;
	[tilespmem:$0x5780] =	vst v63  }
0x61: {  	_ =	swait.ge [sflag:s17], $0x1900  }
.Ltmp1:
0x62: {  	[sflag:s17] =	ssyncset.done $0x0;
	(pc) =	sbr.rel @p2 .LBB2_1-.Ltmp1, $4  }
0x63: {  	[sflag:s17] =	ssyncadd.s32 $0xFFFFE700  }
0x64: {  	[hbm4b:s26+s29] =	stream.strided.scatter [tilespmem:s18], [sflag:$0x3], $0x1900, s30, s29, $0x38;
	[tilespmem:$0x5780] =	vst v63  }
0x65: {  	_ =	swait.ge [sflag:s17], $0x1900  }
0x66: {  	[sflag:s17] =	ssyncset.done $0x0  }
.LBB2_2:
0x67: {  	[sflag:s17] =	ssyncadd.s32 $0xFFFFE700  }
0x68: {  	_ =	sfence.sel $0x180000  }
0x69: {  	[bflag:$0x0] =	sbarrier.arrive $0xFFFF  }
0x6a: {  	p0 =	sne.s32 s0, $0x0;
	_ =	strace $0x90000047  }
0x6b: {  	s0 =	sadd.s32 @!p0 $0x100000, s1;
	[bflag:$0x2] =	sbarrier.arrive $0xFFFF  }
0x6c: {  	[sflag:s0] =	ssyncadd.tile.s32 @!p0 $0x1;
	_ =	shalt  }
.Lfunc_end2:
_tile_overlayer_lowered:
.L_overlay_start_2:
0x6d: {  	(tag) =	ssettag $0x2  }
0x6e: {  	s0 =	rddreg [dreg:$0x0];
	s2 =	stileid.u32  }
0x6f: {  	s1 =	rddreg [dreg:$0x1];
	p0 =	sne.s32 s2, $0x0  }
0x70: {  	s3 =	rddreg [dreg:$0x2];
	[bflag:$0x3] =	sbarrier.arrive $0xFFFF;
	s2 =	simm.s32 @!p0 $0x1C03  }
0x71: {  	[timem:s3], [sflag:s2] =	dma.local @!p0 [hbm:s0], s1  }
0x72: {  	s0 =	simm.s32 @!p0 $0x3  }
0x73: {  	_ =	swait.ge @!p0 [sflag:s0], s1  }
0x74: {  	s1 =	ssub.s32 @!p0 $0x0, s1;
	[sflag:s0] =	ssyncset.done @!p0 $0x0  }
0x75: {  	[sflag:s0] =	ssyncadd.s32 @!p0 s1  }
0x76: {  	[bflag:$0x3] =	sbarrier.arrive $0xFFFF  }
0x77: {  	_ =	shalt  }

</sc_bundles>
